<compile_context>
chip_gen: v7x
topology: tpu7x:2x2x1
jax: 0.10.2.dev20260603
libtpu: 0.0.44.dev20260713+nightly
codegen_flags: <defaults>
</compile_context>

<pallas_src>
import functools

import jax
import jax.numpy as jnp
from jax import lax
from jax.experimental import pallas as pl
from jax.experimental.pallas import tpu as pltpu
from jax.experimental.pallas import tpu_sc as plsc

M = 16384
K = 64
V = 8192
BETA_C = 0.25

MB = 4096
NB = 1024
LANES = 128
QCH = NB // LANES
BIG = 2 ** 30


def _dist_argmin_body(zsq_ref, esq_ref, z_ref, e2_ref, idx_ref, loss_ref,
                      val_ref, blk_ref, h1v_ref, h1i_ref, acc_ref):
    i = pl.program_id(0)
    j = pl.program_id(1)
    nj = pl.num_programs(1)

    @pl.when(jnp.logical_or(j == 0, j == nj // 2))
    def _():
        val_ref[...] = jnp.full((MB, LANES), jnp.inf, jnp.float32)

    dot2 = lax.dot_general(z_ref[...], e2_ref[...],
                           (((1,), (1,)), ((), ())),
                           preferred_element_type=jnp.float32)
    dist = (zsq_ref[...] + esq_ref[...]) + dot2

    v = val_ref[...]
    kk = blk_ref[...]
    for q in range(QCH):
        dch = dist[:, q * LANES:(q + 1) * LANES]
        better = dch < v
        v = jnp.where(better, dch, v)
        kk = jnp.where(better, (j * QCH + q).astype(jnp.float32), kk)
    val_ref[...] = v
    blk_ref[...] = kk

    def _resolve():
        vv = val_ref[...]
        lmin = jnp.min(vv, axis=1, keepdims=True)
        lane = lax.broadcasted_iota(jnp.int32, (MB, LANES), 1).astype(
            jnp.float32)
        cand = jnp.where(vv == lmin, blk_ref[...] * LANES + lane,
                         jnp.float32(BIG))
        gidx = jnp.min(cand, axis=1, keepdims=True)
        return lmin, gidx.astype(jnp.int32)

    @pl.when(j == nj // 2 - 1)
    def _():
        lmin, gidx = _resolve()
        h1v_ref[...] = lmin.astype(jnp.bfloat16).astype(jnp.float32)
        h1i_ref[...] = gidx

    @pl.when(j == nj - 1)
    def _():
        lmin2, gidx2 = _resolve()
        b2 = lmin2 < h1v_ref[...]
        fmin = jnp.where(b2, lmin2, h1v_ref[...])
        idx_ref[...] = jnp.where(b2, gidx2, h1i_ref[...])
        part = jnp.sum(fmin)

        @pl.when(i == 0)
        def _():
            acc_ref[0] = part

        @pl.when(i > 0)
        def _():
            acc_ref[0] = acc_ref[0] + part

        @pl.when(i == pl.num_programs(0) - 1)
        def _():
            c = acc_ref[0] / (M * K)
            loss_ref[...] = jnp.full((1, 1), c + BETA_C * c, jnp.float32)


_dist_argmin = pl.pallas_call(
    _dist_argmin_body,
    grid=(M // MB, V // NB),
    in_specs=[
        pl.BlockSpec((MB, 1), lambda i, j: (i, 0)),
        pl.BlockSpec((1, NB), lambda i, j: (0, j)),
        pl.BlockSpec((MB, K), lambda i, j: (i, 0)),
        pl.BlockSpec((NB, K), lambda i, j: (j, 0)),
    ],
    out_specs=[
        pl.BlockSpec((MB, 1), lambda i, j: (i, 0)),
        pl.BlockSpec((1, 1), lambda i, j: (0, 0)),
    ],
    out_shape=[
        jax.ShapeDtypeStruct((M, 1), jnp.int32),
        jax.ShapeDtypeStruct((1, 1), jnp.float32),
    ],
    scratch_shapes=[
        pltpu.VMEM((MB, LANES), jnp.float32),
        pltpu.VMEM((MB, LANES), jnp.float32),
        pltpu.VMEM((MB, 1), jnp.float32),
        pltpu.VMEM((MB, 1), jnp.int32),
        pltpu.SMEM((1,), jnp.float32),
    ],
)

_SC_CORES = 2
_SC_SUBCORES = 16
_NW = _SC_CORES * _SC_SUBCORES
_BPW = M // _NW


@functools.cache
def _make_sc_gather():
    @functools.partial(
        pl.kernel,
        out_type=jax.ShapeDtypeStruct((M, K), jnp.float32),
        mesh=plsc.VectorSubcoreMesh(core_axis_name="c",
                                    subcore_axis_name="s",
                                    num_cores=_SC_CORES,
                                    num_subcores=_SC_SUBCORES),
        scratch_types=[
            pltpu.VMEM((_BPW,), jnp.int32),
            pltpu.VMEM((_BPW, K), jnp.float32),
            pltpu.SemaphoreType.DMA,
        ],
        compiler_params=pltpu.CompilerParams(use_tc_tiling_on_sc=False),
    )
    def _sc_gather(embed_hbm, idx_hbm, out_hbm, idx_v, rows_v, sem):
        wid = lax.axis_index("s") * _SC_CORES + lax.axis_index("c")
        base = wid * _BPW
        pltpu.sync_copy(idx_hbm.at[pl.ds(base, _BPW)], idx_v)
        pltpu.async_copy(embed_hbm.at[idx_v], rows_v, sem).wait()
        pltpu.sync_copy(rows_v, out_hbm.at[pl.ds(base, _BPW)])

    return _sc_gather


def kernel(z_e, embed):
    z_sq = jnp.sum(z_e ** 2, axis=1, keepdims=True)
    e_sq = jnp.sum(embed ** 2, axis=1)[None, :]
    em2 = -2.0 * embed
    idx2d, loss2d = _dist_argmin(z_sq, e_sq, z_e, em2)
    indices = idx2d.reshape(M)
    z_q_st = _make_sc_gather()(embed, indices)
    vq_loss = loss2d[0, 0]
    return (z_q_st, indices, vq_loss)

# --- scband reference (transcript-rebuilt; emitter-appended) ---
"""Pipeline reference for scband-vector-quantizer-69148973465935 (READ-ONLY COPY).

The authoritative reference and input builder live on the scoring server;
editing this copy changes nothing except your own understanding.
"""

import jax, jax.numpy as jnp
import numpy as np

CODEBOOK_SIZE = 8192
EMBED_DIM = 64
BETA = 0.25


def setup_inputs(seed: int = 0) -> dict:
    key = jax.random.key(seed)
    k1, k2 = jax.random.split(key)
    z_e = jax.random.normal(k1, (16384, EMBED_DIM), dtype=jnp.float32)
    embed = jax.random.uniform(
        k2, (CODEBOOK_SIZE, EMBED_DIM), dtype=jnp.float32,
        minval=-1.0 / CODEBOOK_SIZE, maxval=1.0 / CODEBOOK_SIZE,
    )
    return {"z_e": z_e, "embed": embed}


def reference(z_e, embed):
    z_sq = jnp.sum(z_e ** 2, axis=1, keepdims=True)
    e_sq = jnp.sum(embed ** 2, axis=1)[None, :]
    dot = jnp.matmul(z_e, embed.T)
    dist = z_sq + e_sq - 2.0 * dot
    indices = jnp.argmin(dist, axis=1)
    z_q = jnp.take(embed, indices, axis=0)
    commitment = jnp.mean((z_e - jax.lax.stop_gradient(z_q)) ** 2)
    codebook = jnp.mean((z_q - jax.lax.stop_gradient(z_e)) ** 2)
    vq_loss = codebook + BETA * commitment
    z_q_st = z_e + jax.lax.stop_gradient(z_q - z_e)
    return (z_q_st, indices, vq_loss)

if __name__ == "__main__":
    import jax
    _d = setup_inputs()
    print(jax.jit(kernel)(*tuple(_d.values())))

</pallas_src>

<mosaic_0001>
#map = affine_map<(d0, d1) -> (0, 0)>
#map1 = affine_map<(d0, d1) -> (0)>
module attributes {stable_mosaic.version = 14 : i64} {
  func.func @_sc_gather(%arg0: i32, %arg1: i32, %arg2: memref<8192x64xf32, #tpu.memory_space<hbm>>, %arg3: memref<16384xi32, #tpu.memory_space<hbm>>, %arg4: memref<16384x64xf32, #tpu.memory_space<hbm>>, %arg5: memref<512xi32, #tpu.memory_space<vmem>>, %arg6: memref<512x64xf32, #tpu.memory_space<vmem>>, %arg7: memref<!tpu.dma_semaphore, #tpu.memory_space<semaphore_mem>>) attributes {dimension_semantics = [#tpu.dimension_semantics<core_parallel>, #tpu.dimension_semantics<subcore_parallel>], iteration_bounds = array<i64: 2, 16>, scalar_prefetch = 0 : i64, scratch_operands = 3 : i64, tpu.core_type = #tpu.core_type<sc_vector_subcore>, window_params = [{transform_indices = #map}, {transform_indices = #map1}, {transform_indices = #map}]} {
    %mul3A = arith.constant 2 : i32
    %mul3A_0 = arith.muli %arg1, %mul3A : i32
    %add3A = arith.addi %mul3A_0, %arg0 : i32
    %mul3A_1 = arith.constant 512 : i32
    %mul3A_2 = arith.muli %add3A, %mul3A_1 : i32
    "tpu.region"() ({
      %run_scoped3A = tpu.sem_alloc : memref<!tpu.dma_semaphore, #tpu.memory_space<semaphore_mem>>
      %dma_start3A_7 = tpu.memref_slice %arg3[%mul3A_2] : memref<16384xi32, #tpu.memory_space<hbm>> -> memref<512xi32, #tpu.memory_space<hbm>>
      %dma_start3A_8 = tpu.memref_slice %arg3[%mul3A_2] : memref<16384xi32, #tpu.memory_space<hbm>> -> memref<512xi32, #tpu.memory_space<hbm>>
      tpu.enqueue_dma source(%dma_start3A_8 : memref<512xi32, #tpu.memory_space<hbm>>) target(%arg5 : memref<512xi32, #tpu.memory_space<vmem>>) target_semaphore(%run_scoped3A : memref<!tpu.dma_semaphore, #tpu.memory_space<semaphore_mem>>)
      %dma_wait3A_9 = tpu.memref_slice %arg3[%mul3A_2] : memref<16384xi32, #tpu.memory_space<hbm>> -> memref<512xi32, #tpu.memory_space<hbm>>
      %dma_wait3A_10 = tpu.memref_slice %arg3[%mul3A_2] : memref<16384xi32, #tpu.memory_space<hbm>> -> memref<512xi32, #tpu.memory_space<hbm>>
      tpu.wait_dma2 semaphore(%run_scoped3A : memref<!tpu.dma_semaphore, #tpu.memory_space<semaphore_mem>>) src(%dma_wait3A_10 : memref<512xi32, #tpu.memory_space<hbm>>) dst(%arg5 : memref<512xi32, #tpu.memory_space<vmem>>)
      tpu.yield
    }) : () -> ()
    %dma_start3A = arith.constant 0 : i32
    %dma_start3A_3 = arith.constant 0 : i32
    %dma_start3A_4 = tpu.memref_slice %arg2[%dma_start3A, %dma_start3A_3] : memref<8192x64xf32, #tpu.memory_space<hbm>> -> memref<8192x64xf32, #tpu.memory_space<hbm>>
    tpu.enqueue_indirect_dma source(%dma_start3A_4 : memref<8192x64xf32, #tpu.memory_space<hbm>>) target(%arg6 : memref<512x64xf32, #tpu.memory_space<vmem>>) offsets(%arg5 : memref<512xi32, #tpu.memory_space<vmem>>) semaphore(%arg7 : memref<!tpu.dma_semaphore, #tpu.memory_space<semaphore_mem>>)
    %dma_wait3A = arith.constant 0 : i32
    %dma_wait3A_5 = arith.constant 0 : i32
    %dma_wait3A_6 = tpu.memref_slice %arg2[%dma_wait3A, %dma_wait3A_5] : memref<8192x64xf32, #tpu.memory_space<hbm>> -> memref<8192x64xf32, #tpu.memory_space<hbm>>
    tpu.wait_indirect_dma semaphore(%arg7 : memref<!tpu.dma_semaphore, #tpu.memory_space<semaphore_mem>>) src(%dma_wait3A_6 : memref<8192x64xf32, #tpu.memory_space<hbm>>) dst(%arg6 : memref<512x64xf32, #tpu.memory_space<vmem>>)
    "tpu.region"() ({
      %run_scoped3A = tpu.sem_alloc : memref<!tpu.dma_semaphore, #tpu.memory_space<semaphore_mem>>
      %dma_start3A_7 = arith.constant 0 : i32
      %dma_start3A_8 = tpu.memref_slice %arg4[%mul3A_2, %dma_start3A_7] : memref<16384x64xf32, #tpu.memory_space<hbm>> -> memref<512x64xf32, #tpu.memory_space<hbm>>
      %dma_start3A_9 = arith.constant 0 : i32
      %dma_start3A_10 = tpu.memref_slice %arg4[%mul3A_2, %dma_start3A_9] : memref<16384x64xf32, #tpu.memory_space<hbm>> -> memref<512x64xf32, #tpu.memory_space<hbm>>
      tpu.enqueue_dma source(%arg6 : memref<512x64xf32, #tpu.memory_space<vmem>>) target(%dma_start3A_10 : memref<512x64xf32, #tpu.memory_space<hbm>>) target_semaphore(%run_scoped3A : memref<!tpu.dma_semaphore, #tpu.memory_space<semaphore_mem>>)
      %dma_wait3A_11 = arith.constant 0 : i32
      %dma_wait3A_12 = tpu.memref_slice %arg4[%mul3A_2, %dma_wait3A_11] : memref<16384x64xf32, #tpu.memory_space<hbm>> -> memref<512x64xf32, #tpu.memory_space<hbm>>
      %dma_wait3A_13 = arith.constant 0 : i32
      %dma_wait3A_14 = tpu.memref_slice %arg4[%mul3A_2, %dma_wait3A_13] : memref<16384x64xf32, #tpu.memory_space<hbm>> -> memref<512x64xf32, #tpu.memory_space<hbm>>
      tpu.wait_dma2 semaphore(%run_scoped3A : memref<!tpu.dma_semaphore, #tpu.memory_space<semaphore_mem>>) src(%arg6 : memref<512x64xf32, #tpu.memory_space<vmem>>) dst(%dma_wait3A_14 : memref<512x64xf32, #tpu.memory_space<hbm>>)
      tpu.yield
    }) : () -> ()
    return
  }
}

module attributes {stable_mosaic.version = 14 : i64} {
  func.func @_dist_argmin_body(%arg0: i32, %arg1: i32, %arg2: memref<4096x1xf32, #tpu.memory_space<vmem>>, %arg3: memref<1x1024xf32, #tpu.memory_space<vmem>>, %arg4: memref<4096x64xf32, #tpu.memory_space<vmem>>, %arg5: memref<1024x64xf32, #tpu.memory_space<vmem>>, %arg6: memref<4096x1xi32, #tpu.memory_space<vmem>>, %arg7: memref<1x1xf32, #tpu.memory_space<vmem>>, %arg8: memref<4096x128xf32, #tpu.memory_space<vmem>>, %arg9: memref<4096x128xf32, #tpu.memory_space<vmem>>, %arg10: memref<4096x1xf32, #tpu.memory_space<vmem>>, %arg11: memref<4096x1xi32, #tpu.memory_space<vmem>>, %arg12: memref<1xf32, #tpu.memory_space<smem>>) attributes {dimension_semantics = [#tpu.dimension_semantics<arbitrary>, #tpu.dimension_semantics<arbitrary>], iteration_bounds = array<i64: 4, 8>, scalar_prefetch = 0 : i64, scratch_operands = 5 : i64, tpu.core_type = #tpu.core_type<tc>, window_params = [{transform_indices = @transform_0, window_bounds = array<i64: 4096, 1>}, {transform_indices = @transform_1, window_bounds = array<i64: 1, 1024>}, {transform_indices = @transform_2, window_bounds = array<i64: 4096, 64>}, {transform_indices = @transform_3, window_bounds = array<i64: 1024, 64>}, {transform_indices = @transform_4, window_bounds = array<i64: 4096, 1>}, {pipeline_mode = #tpu.pipeline_mode<synchronous>, transform_indices = @transform_5, window_bounds = array<i64: 1, 1>}]} {
    %eq3A = arith.constant 0 : i32
    %eq3A_0 = arith.cmpi eq, %arg1, %eq3A : i32
    %eq3A_1 = arith.constant 4 : i32
    %eq3A_2 = arith.cmpi eq, %arg1, %eq3A_1 : i32
    %or3A = arith.ori %eq3A_0, %eq3A_2 : i1
    %convert_element_type3A = arith.extui %or3A : i1 to i32
    %cond3A = arith.constant 0 : i32
    %cond3A_3 = arith.cmpi ne, %convert_element_type3A, %cond3A : i32
    scf.if %cond3A_3 {
      %broadcast_in_dim3A_115 = arith.constant 0x7F800000 : f32
      %broadcast_in_dim3A_116 = vector.broadcast %broadcast_in_dim3A_115 : f32 to vector<4096x128xf32>
      %swap3A_117 = arith.constant 0 : index
      %swap3A_118 = arith.constant 0 : index
      %swap3A_119 = vector.load %arg8[%swap3A_117, %swap3A_118] : memref<4096x128xf32, #tpu.memory_space<vmem>>, vector<4096x128xf32>
      tpu.vector_store %arg8[%swap3A_117, %swap3A_118], %broadcast_in_dim3A_116 {strides = array<i32>} : memref<4096x128xf32, #tpu.memory_space<vmem>>, vector<4096x128xf32>,
    } else {
    }
    %get3A = arith.constant 0 : index
    %get3A_4 = arith.constant 0 : index
    %get3A_5 = vector.load %arg4[%get3A, %get3A_4] : memref<4096x64xf32, #tpu.memory_space<vmem>>, vector<4096x64xf32>
    %get3A_6 = arith.constant 0 : index
    %get3A_7 = arith.constant 0 : index
    %get3A_8 = vector.load %arg5[%get3A_6, %get3A_7] : memref<1024x64xf32, #tpu.memory_space<vmem>>, vector<1024x64xf32>
    %dot_general3A = arith.constant dense<0.000000e+00> : vector<4096x1024xf32>
    %dot_general3A_9 = tpu.matmul %get3A_5, %get3A_8, %dot_general3A {dimension_numbers = #tpu.dot_dimension_numbers<[1], [1], [0], [0], [0, 0, 1, 0], [], []>, transpose_lhs_hint = false} : vector<4096x64xf32>, vector<1024x64xf32>, vector<4096x1024xf32> -> vector<4096x1024xf32>
    %get3A_10 = arith.constant 0 : index
    %get3A_11 = arith.constant 0 : index
    %get3A_12 = vector.load %arg2[%get3A_10, %get3A_11] : memref<4096x1xf32, #tpu.memory_space<vmem>>, vector<4096x1xf32>
    %get3A_13 = arith.constant 0 : index
    %get3A_14 = arith.constant 0 : index
    %get3A_15 = vector.load %arg3[%get3A_13, %get3A_14] : memref<1x1024xf32, #tpu.memory_space<vmem>>, vector<1x1024xf32>
    %add3A = vector.broadcast %get3A_12 : vector<4096x1xf32> to vector<4096x1024xf32>
    %add3A_16 = vector.broadcast %get3A_15 : vector<1x1024xf32> to vector<4096x1024xf32>
    %add3A_17 = arith.addf %add3A, %add3A_16 : vector<4096x1024xf32>
    %add3A_18 = arith.addf %add3A_17, %dot_general3A_9 : vector<4096x1024xf32>
    %get3A_19 = arith.constant 0 : index
    %get3A_20 = arith.constant 0 : index
    %get3A_21 = vector.load %arg8[%get3A_19, %get3A_20] : memref<4096x128xf32, #tpu.memory_space<vmem>>, vector<4096x128xf32>
    %get3A_22 = arith.constant 0 : index
    %get3A_23 = arith.constant 0 : index
    %get3A_24 = vector.load %arg9[%get3A_22, %get3A_23] : memref<4096x128xf32, #tpu.memory_space<vmem>>, vector<4096x128xf32>
    %slice3A = vector.extract_strided_slice %add3A_18 {offsets = [0, 0], sizes = [4096, 128], strides = [1, 1]} : vector<4096x1024xf32> to vector<4096x128xf32>
    %lt3A = arith.cmpf olt, %slice3A, %get3A_21 : vector<4096x128xf32>
    %select_n3A = arith.select %lt3A, %slice3A, %get3A_21 : vector<4096x128xi1>, vector<4096x128xf32>
    %mul3A = arith.constant 8 : i32
    %mul3A_25 = arith.muli %arg1, %mul3A : i32
    %add3A_26 = arith.constant 0 : i32
    %add3A_27 = arith.addi %mul3A_25, %add3A_26 : i32
    %convert_element_type3A_28 = arith.sitofp %add3A_27 : i32 to f32
    %broadcast_in_dim3A = vector.broadcast %convert_element_type3A_28 : f32 to vector<4096x128xf32>
    %select_n3A_29 = arith.select %lt3A, %broadcast_in_dim3A, %get3A_24 : vector<4096x128xi1>, vector<4096x128xf32>
    %slice3A_30 = vector.extract_strided_slice %add3A_18 {offsets = [0, 128], sizes = [4096, 128], strides = [1, 1]} : vector<4096x1024xf32> to vector<4096x128xf32>
    %lt3A_31 = arith.cmpf olt, %slice3A_30, %select_n3A : vector<4096x128xf32>
    %select_n3A_32 = arith.select %lt3A_31, %slice3A_30, %select_n3A : vector<4096x128xi1>, vector<4096x128xf32>
    %mul3A_33 = arith.constant 8 : i32
    %mul3A_34 = arith.muli %arg1, %mul3A_33 : i32
    %add3A_35 = arith.constant 1 : i32
    %add3A_36 = arith.addi %mul3A_34, %add3A_35 : i32
    %convert_element_type3A_37 = arith.sitofp %add3A_36 : i32 to f32
    %broadcast_in_dim3A_38 = vector.broadcast %convert_element_type3A_37 : f32 to vector<4096x128xf32>
    %select_n3A_39 = arith.select %lt3A_31, %broadcast_in_dim3A_38, %select_n3A_29 : vector<4096x128xi1>, vector<4096x128xf32>
    %slice3A_40 = vector.extract_strided_slice %add3A_18 {offsets = [0, 256], sizes = [4096, 128], strides = [1, 1]} : vector<4096x1024xf32> to vector<4096x128xf32>
    %lt3A_41 = arith.cmpf olt, %slice3A_40, %select_n3A_32 : vector<4096x128xf32>
    %select_n3A_42 = arith.select %lt3A_41, %slice3A_40, %select_n3A_32 : vector<4096x128xi1>, vector<4096x128xf32>
    %mul3A_43 = arith.constant 8 : i32
    %mul3A_44 = arith.muli %arg1, %mul3A_43 : i32
    %add3A_45 = arith.constant 2 : i32
    %add3A_46 = arith.addi %mul3A_44, %add3A_45 : i32
    %convert_element_type3A_47 = arith.sitofp %add3A_46 : i32 to f32
    %broadcast_in_dim3A_48 = vector.broadcast %convert_element_type3A_47 : f32 to vector<4096x128xf32>
    %select_n3A_49 = arith.select %lt3A_41, %broadcast_in_dim3A_48, %select_n3A_39 : vector<4096x128xi1>, vector<4096x128xf32>
    %slice3A_50 = vector.extract_strided_slice %add3A_18 {offsets = [0, 384], sizes = [4096, 128], strides = [1, 1]} : vector<4096x1024xf32> to vector<4096x128xf32>
    %lt3A_51 = arith.cmpf olt, %slice3A_50, %select_n3A_42 : vector<4096x128xf32>
    %select_n3A_52 = arith.select %lt3A_51, %slice3A_50, %select_n3A_42 : vector<4096x128xi1>, vector<4096x128xf32>
    %mul3A_53 = arith.constant 8 : i32
    %mul3A_54 = arith.muli %arg1, %mul3A_53 : i32
    %add3A_55 = arith.constant 3 : i32
    %add3A_56 = arith.addi %mul3A_54, %add3A_55 : i32
    %convert_element_type3A_57 = arith.sitofp %add3A_56 : i32 to f32
    %broadcast_in_dim3A_58 = vector.broadcast %convert_element_type3A_57 : f32 to vector<4096x128xf32>
    %select_n3A_59 = arith.select %lt3A_51, %broadcast_in_dim3A_58, %select_n3A_49 : vector<4096x128xi1>, vector<4096x128xf32>
    %slice3A_60 = vector.extract_strided_slice %add3A_18 {offsets = [0, 512], sizes = [4096, 128], strides = [1, 1]} : vector<4096x1024xf32> to vector<4096x128xf32>
    %lt3A_61 = arith.cmpf olt, %slice3A_60, %select_n3A_52 : vector<4096x128xf32>
    %select_n3A_62 = arith.select %lt3A_61, %slice3A_60, %select_n3A_52 : vector<4096x128xi1>, vector<4096x128xf32>
    %mul3A_63 = arith.constant 8 : i32
    %mul3A_64 = arith.muli %arg1, %mul3A_63 : i32
    %add3A_65 = arith.constant 4 : i32
    %add3A_66 = arith.addi %mul3A_64, %add3A_65 : i32
    %convert_element_type3A_67 = arith.sitofp %add3A_66 : i32 to f32
    %broadcast_in_dim3A_68 = vector.broadcast %convert_element_type3A_67 : f32 to vector<4096x128xf32>
    %select_n3A_69 = arith.select %lt3A_61, %broadcast_in_dim3A_68, %select_n3A_59 : vector<4096x128xi1>, vector<4096x128xf32>
    %slice3A_70 = vector.extract_strided_slice %add3A_18 {offsets = [0, 640], sizes = [4096, 128], strides = [1, 1]} : vector<4096x1024xf32> to vector<4096x128xf32>
    %lt3A_71 = arith.cmpf olt, %slice3A_70, %select_n3A_62 : vector<4096x128xf32>
    %select_n3A_72 = arith.select %lt3A_71, %slice3A_70, %select_n3A_62 : vector<4096x128xi1>, vector<4096x128xf32>
    %mul3A_73 = arith.constant 8 : i32
    %mul3A_74 = arith.muli %arg1, %mul3A_73 : i32
    %add3A_75 = arith.constant 5 : i32
    %add3A_76 = arith.addi %mul3A_74, %add3A_75 : i32
    %convert_element_type3A_77 = arith.sitofp %add3A_76 : i32 to f32
    %broadcast_in_dim3A_78 = vector.broadcast %convert_element_type3A_77 : f32 to vector<4096x128xf32>
    %select_n3A_79 = arith.select %lt3A_71, %broadcast_in_dim3A_78, %select_n3A_69 : vector<4096x128xi1>, vector<4096x128xf32>
    %slice3A_80 = vector.extract_strided_slice %add3A_18 {offsets = [0, 768], sizes = [4096, 128], strides = [1, 1]} : vector<4096x1024xf32> to vector<4096x128xf32>
    %lt3A_81 = arith.cmpf olt, %slice3A_80, %select_n3A_72 : vector<4096x128xf32>
    %select_n3A_82 = arith.select %lt3A_81, %slice3A_80, %select_n3A_72 : vector<4096x128xi1>, vector<4096x128xf32>
    %mul3A_83 = arith.constant 8 : i32
    %mul3A_84 = arith.muli %arg1, %mul3A_83 : i32
    %add3A_85 = arith.constant 6 : i32
    %add3A_86 = arith.addi %mul3A_84, %add3A_85 : i32
    %convert_element_type3A_87 = arith.sitofp %add3A_86 : i32 to f32
    %broadcast_in_dim3A_88 = vector.broadcast %convert_element_type3A_87 : f32 to vector<4096x128xf32>
    %select_n3A_89 = arith.select %lt3A_81, %broadcast_in_dim3A_88, %select_n3A_79 : vector<4096x128xi1>, vector<4096x128xf32>
    %slice3A_90 = vector.extract_strided_slice %add3A_18 {offsets = [0, 896], sizes = [4096, 128], strides = [1, 1]} : vector<4096x1024xf32> to vector<4096x128xf32>
    %lt3A_91 = arith.cmpf olt, %slice3A_90, %select_n3A_82 : vector<4096x128xf32>
    %select_n3A_92 = arith.select %lt3A_91, %slice3A_90, %select_n3A_82 : vector<4096x128xi1>, vector<4096x128xf32>
    %mul3A_93 = arith.constant 8 : i32
    %mul3A_94 = arith.muli %arg1, %mul3A_93 : i32
    %add3A_95 = arith.constant 7 : i32
    %add3A_96 = arith.addi %mul3A_94, %add3A_95 : i32
    %convert_element_type3A_97 = arith.sitofp %add3A_96 : i32 to f32
    %broadcast_in_dim3A_98 = vector.broadcast %convert_element_type3A_97 : f32 to vector<4096x128xf32>
    %select_n3A_99 = arith.select %lt3A_91, %broadcast_in_dim3A_98, %select_n3A_89 : vector<4096x128xi1>, vector<4096x128xf32>
    %swap3A = arith.constant 0 : index
    %swap3A_100 = arith.constant 0 : index
    %swap3A_101 = vector.load %arg8[%swap3A, %swap3A_100] : memref<4096x128xf32, #tpu.memory_space<vmem>>, vector<4096x128xf32>
    tpu.vector_store %arg8[%swap3A, %swap3A_100], %select_n3A_92 {strides = array<i32>} : memref<4096x128xf32, #tpu.memory_space<vmem>>, vector<4096x128xf32>,
    %swap3A_102 = arith.constant 0 : index
    %swap3A_103 = arith.constant 0 : index
    %swap3A_104 = vector.load %arg9[%swap3A_102, %swap3A_103] : memref<4096x128xf32, #tpu.memory_space<vmem>>, vector<4096x128xf32>
    tpu.vector_store %arg9[%swap3A_102, %swap3A_103], %select_n3A_99 {strides = array<i32>} : memref<4096x128xf32, #tpu.memory_space<vmem>>, vector<4096x128xf32>,
    %eq3A_105 = arith.constant 3 : i32
    %eq3A_106 = arith.cmpi eq, %arg1, %eq3A_105 : i32
    %convert_element_type3A_107 = arith.extui %eq3A_106 : i1 to i32
    %cond3A_108 = arith.constant 0 : i32
    %cond3A_109 = arith.cmpi ne, %convert_element_type3A_107, %cond3A_108 : i32
    scf.if %cond3A_109 {
      %get3A_115 = arith.constant 0 : index
      %get3A_116 = arith.constant 0 : index
      %get3A_117 = vector.load %arg8[%get3A_115, %get3A_116] : memref<4096x128xf32, #tpu.memory_space<vmem>>, vector<4096x128xf32>
      %reduce_min3A = arith.constant dense<0x7F800000> : vector<4096xf32>
      %reduce_min3A_118 = vector.multi_reduction <minimumf>, %get3A_117, %reduce_min3A [1] : vector<4096x128xf32> to vector<4096xf32>
      %broadcast_in_dim3A_119 = vector.shape_cast %reduce_min3A_118 : vector<4096xf32> to vector<4096x1xf32>
      %iota3A = tpu.iota {dimensions = array<i32: 1>} : vector<4096x128xi32>
      %convert_element_type3A_120 = arith.sitofp %iota3A : vector<4096x128xi32> to vector<4096x128xf32>
      %eq3A_121 = vector.broadcast %broadcast_in_dim3A_119 : vector<4096x1xf32> to vector<4096x128xf32>
      %eq3A_122 = arith.cmpf oeq, %get3A_117, %eq3A_121 : vector<4096x128xf32>
      %get3A_123 = arith.constant 0 : index
      %get3A_124 = arith.constant 0 : index
      %get3A_125 = vector.load %arg9[%get3A_123, %get3A_124] : memref<4096x128xf32, #tpu.memory_space<vmem>>, vector<4096x128xf32>
      %mul3A_126 = arith.constant 1.280000e+02 : f32
      %mul3A_127 = vector.broadcast %mul3A_126 : f32 to vector<4096x128xf32>
      %mul3A_128 = arith.mulf %get3A_125, %mul3A_127 : vector<4096x128xf32>
      %add3A_129 = arith.addf %mul3A_128, %convert_element_type3A_120 : vector<4096x128xf32>
      %jit3A = arith.constant 1.07374182E+9 : f32
      %broadcast_in_dim3A_130 = vector.broadcast %jit3A : f32 to vector<4096x128xf32>
      %select_n3A_131 = arith.select %eq3A_122, %add3A_129, %broadcast_in_dim3A_130 : vector<4096x128xi1>, vector<4096x128xf32>
      %reduce_min3A_132 = arith.constant dense<0x7F800000> : vector<4096xf32>
      %reduce_min3A_133 = vector.multi_reduction <minimumf>, %select_n3A_131, %reduce_min3A_132 [1] : vector<4096x128xf32> to vector<4096xf32>
      %broadcast_in_dim3A_134 = vector.shape_cast %reduce_min3A_133 : vector<4096xf32> to vector<4096x1xf32>
      %convert_element_type3A_135 = arith.fptosi %broadcast_in_dim3A_134 : vector<4096x1xf32> to vector<4096x1xi32>
      %convert_element_type3A_136 = arith.truncf %broadcast_in_dim3A_119 : vector<4096x1xf32> to vector<4096x1xbf16>
      %convert_element_type3A_137 = arith.extf %convert_element_type3A_136 : vector<4096x1xbf16> to vector<4096x1xf32>
      %swap3A_138 = arith.constant 0 : index
      %swap3A_139 = arith.constant 0 : index
      %swap3A_140 = vector.load %arg10[%swap3A_138, %swap3A_139] : memref<4096x1xf32, #tpu.memory_space<vmem>>, vector<4096x1xf32>
      tpu.vector_store %arg10[%swap3A_138, %swap3A_139], %convert_element_type3A_137 {strides = array<i32>} : memref<4096x1xf32, #tpu.memory_space<vmem>>, vector<4096x1xf32>,
      %swap3A_141 = arith.constant 0 : index
      %swap3A_142 = arith.constant 0 : index
      %swap3A_143 = vector.load %arg11[%swap3A_141, %swap3A_142] : memref<4096x1xi32, #tpu.memory_space<vmem>>, vector<4096x1xi32>
      tpu.vector_store %arg11[%swap3A_141, %swap3A_142], %convert_element_type3A_135 {strides = array<i32>} : memref<4096x1xi32, #tpu.memory_space<vmem>>, vector<4096x1xi32>,
    } else {
    }
    %eq3A_110 = arith.constant 7 : i32
    %eq3A_111 = arith.cmpi eq, %arg1, %eq3A_110 : i32
    %convert_element_type3A_112 = arith.extui %eq3A_111 : i1 to i32
    %cond3A_113 = arith.constant 0 : i32
    %cond3A_114 = arith.cmpi ne, %convert_element_type3A_112, %cond3A_113 : i32
    scf.if %cond3A_114 {
      %get3A_115 = arith.constant 0 : index
      %get3A_116 = arith.constant 0 : index
      %get3A_117 = vector.load %arg8[%get3A_115, %get3A_116] : memref<4096x128xf32, #tpu.memory_space<vmem>>, vector<4096x128xf32>
      %reduce_min3A = arith.constant dense<0x7F800000> : vector<4096xf32>
      %reduce_min3A_118 = vector.multi_reduction <minimumf>, %get3A_117, %reduce_min3A [1] : vector<4096x128xf32> to vector<4096xf32>
      %broadcast_in_dim3A_119 = vector.shape_cast %reduce_min3A_118 : vector<4096xf32> to vector<4096x1xf32>
      %iota3A = tpu.iota {dimensions = array<i32: 1>} : vector<4096x128xi32>
      %convert_element_type3A_120 = arith.sitofp %iota3A : vector<4096x128xi32> to vector<4096x128xf32>
      %eq3A_121 = vector.broadcast %broadcast_in_dim3A_119 : vector<4096x1xf32> to vector<4096x128xf32>
      %eq3A_122 = arith.cmpf oeq, %get3A_117, %eq3A_121 : vector<4096x128xf32>
      %get3A_123 = arith.constant 0 : index
      %get3A_124 = arith.constant 0 : index
      %get3A_125 = vector.load %arg9[%get3A_123, %get3A_124] : memref<4096x128xf32, #tpu.memory_space<vmem>>, vector<4096x128xf32>
      %mul3A_126 = arith.constant 1.280000e+02 : f32
      %mul3A_127 = vector.broadcast %mul3A_126 : f32 to vector<4096x128xf32>
      %mul3A_128 = arith.mulf %get3A_125, %mul3A_127 : vector<4096x128xf32>
      %add3A_129 = arith.addf %mul3A_128, %convert_element_type3A_120 : vector<4096x128xf32>
      %jit3A = arith.constant 1.07374182E+9 : f32
      %broadcast_in_dim3A_130 = vector.broadcast %jit3A : f32 to vector<4096x128xf32>
      %select_n3A_131 = arith.select %eq3A_122, %add3A_129, %broadcast_in_dim3A_130 : vector<4096x128xi1>, vector<4096x128xf32>
      %reduce_min3A_132 = arith.constant dense<0x7F800000> : vector<4096xf32>
      %reduce_min3A_133 = vector.multi_reduction <minimumf>, %select_n3A_131, %reduce_min3A_132 [1] : vector<4096x128xf32> to vector<4096xf32>
      %broadcast_in_dim3A_134 = vector.shape_cast %reduce_min3A_133 : vector<4096xf32> to vector<4096x1xf32>
      %convert_element_type3A_135 = arith.fptosi %broadcast_in_dim3A_134 : vector<4096x1xf32> to vector<4096x1xi32>
      %get3A_136 = arith.constant 0 : index
      %get3A_137 = arith.constant 0 : index
      %get3A_138 = vector.load %arg10[%get3A_136, %get3A_137] : memref<4096x1xf32, #tpu.memory_space<vmem>>, vector<4096x1xf32>
      %lt3A_139 = arith.cmpf olt, %broadcast_in_dim3A_119, %get3A_138 : vector<4096x1xf32>
      %get3A_140 = arith.constant 0 : index
      %get3A_141 = arith.constant 0 : index
      %get3A_142 = vector.load %arg10[%get3A_140, %get3A_141] : memref<4096x1xf32, #tpu.memory_space<vmem>>, vector<4096x1xf32>
      %select_n3A_143 = arith.select %lt3A_139, %broadcast_in_dim3A_119, %get3A_142 : vector<4096x1xi1>, vector<4096x1xf32>
      %get3A_144 = arith.constant 0 : index
      %get3A_145 = arith.constant 0 : index
      %get3A_146 = vector.load %arg11[%get3A_144, %get3A_145] : memref<4096x1xi32, #tpu.memory_space<vmem>>, vector<4096x1xi32>
      %select_n3A_147 = arith.select %lt3A_139, %convert_element_type3A_135, %get3A_146 : vector<4096x1xi1>, vector<4096x1xi32>
      %swap3A_148 = arith.constant 0 : index
      %swap3A_149 = arith.constant 0 : index
      %swap3A_150 = vector.load %arg6[%swap3A_148, %swap3A_149] : memref<4096x1xi32, #tpu.memory_space<vmem>>, vector<4096x1xi32>
      tpu.vector_store %arg6[%swap3A_148, %swap3A_149], %select_n3A_147 {strides = array<i32>} : memref<4096x1xi32, #tpu.memory_space<vmem>>, vector<4096x1xi32>,
      %reduce_sum3A = vector.shape_cast %select_n3A_143 : vector<4096x1xf32> to vector<1x4096x1xf32>
      %reduce_sum3A_151 = arith.constant dense<0.000000e+00> : vector<1xf32>
      %reduce_sum3A_152 = vector.multi_reduction <add>, %reduce_sum3A, %reduce_sum3A_151 [1, 2] : vector<1x4096x1xf32> to vector<1xf32>
      %reduce_sum3A_153 = vector.shape_cast %reduce_sum3A_152 : vector<1xf32> to vector<1x1x1xf32>
      %reduce_sum3A_154 = vector.extract %reduce_sum3A_153[0, 0, 0] : f32 from vector<1x1x1xf32>
      %eq3A_155 = arith.constant 0 : i32
      %eq3A_156 = arith.cmpi eq, %arg0, %eq3A_155 : i32
      %convert_element_type3A_157 = arith.extui %eq3A_156 : i1 to i32
      %cond3A_158 = arith.constant 0 : i32
      %cond3A_159 = arith.cmpi ne, %convert_element_type3A_157, %cond3A_158 : i32
      scf.if %cond3A_159 {
        %swap3A_169 = arith.constant 0 : index
        %swap3A_170 = memref.load %arg12[%swap3A_169] : memref<1xf32, #tpu.memory_space<smem>>
        memref.store %reduce_sum3A_154, %arg12[%swap3A_169] : memref<1xf32, #tpu.memory_space<smem>>
      } else {
      }
      %gt3A = arith.constant 0 : i32
      %gt3A_160 = arith.cmpi sgt, %arg0, %gt3A : i32
      %convert_element_type3A_161 = arith.extui %gt3A_160 : i1 to i32
      %cond3A_162 = arith.constant 0 : i32
      %cond3A_163 = arith.cmpi ne, %convert_element_type3A_161, %cond3A_162 : i32
      scf.if %cond3A_163 {
        %get3A_169 = arith.constant 0 : index
        %get3A_170 = memref.load %arg12[%get3A_169] : memref<1xf32, #tpu.memory_space<smem>>
        %add3A_171 = arith.addf %get3A_170, %reduce_sum3A_154 : f32
        %swap3A_172 = arith.constant 0 : index
        %swap3A_173 = memref.load %arg12[%swap3A_172] : memref<1xf32, #tpu.memory_space<smem>>
        memref.store %add3A_171, %arg12[%swap3A_172] : memref<1xf32, #tpu.memory_space<smem>>
      } else {
      }
      %eq3A_164 = arith.constant 3 : i32
      %eq3A_165 = arith.cmpi eq, %arg0, %eq3A_164 : i32
      %convert_element_type3A_166 = arith.extui %eq3A_165 : i1 to i32
      %cond3A_167 = arith.constant 0 : i32
      %cond3A_168 = arith.cmpi ne, %convert_element_type3A_166, %cond3A_167 : i32
      scf.if %cond3A_168 {
        %get3A_169 = arith.constant 0 : index
        %get3A_170 = memref.load %arg12[%get3A_169] : memref<1xf32, #tpu.memory_space<smem>>
        %div3A = arith.constant 0x49800000 : f32
        %div3A_171 = arith.divf %get3A_170, %div3A : f32
        %mul3A_172 = arith.constant 2.500000e-01 : f32
        %mul3A_173 = arith.mulf %mul3A_172, %div3A_171 : f32
        %add3A_174 = arith.addf %div3A_171, %mul3A_173 : f32
        %broadcast_in_dim3A_175 = vector.broadcast %add3A_174 : f32 to vector<1x1xf32>
        %swap3A_176 = arith.constant 0 : index
        %swap3A_177 = arith.constant 0 : index
        %swap3A_178 = vector.load %arg7[%swap3A_176, %swap3A_177] : memref<1x1xf32, #tpu.memory_space<vmem>>, vector<1x1xf32>
        tpu.vector_store %arg7[%swap3A_176, %swap3A_177], %broadcast_in_dim3A_175 {strides = array<i32>} : memref<1x1xf32, #tpu.memory_space<vmem>>, vector<1x1xf32>,
      } else {
      }
    } else {
    }
    return
  }
  func.func @transform_0(%arg0: i32, %arg1: i32) -> (i32, i32) {
    %c0_i32 = arith.constant 0 : i32
    %c0_i32_0 = arith.constant 0 : i32
    return %arg0, %c0_i32 : i32, i32
  }
  func.func @transform_1(%arg0: i32, %arg1: i32) -> (i32, i32) {
    %c0_i32 = arith.constant 0 : i32
    %c0_i32_0 = arith.constant 0 : i32
    return %c0_i32, %arg1 : i32, i32
  }
  func.func @transform_2(%arg0: i32, %arg1: i32) -> (i32, i32) {
    %c0_i32 = arith.constant 0 : i32
    %c0_i32_0 = arith.constant 0 : i32
    return %arg0, %c0_i32 : i32, i32
  }
  func.func @transform_3(%arg0: i32, %arg1: i32) -> (i32, i32) {
    %c0_i32 = arith.constant 0 : i32
    %c0_i32_0 = arith.constant 0 : i32
    return %arg1, %c0_i32 : i32, i32
  }
  func.func @transform_4(%arg0: i32, %arg1: i32) -> (i32, i32) {
    %c0_i32 = arith.constant 0 : i32
    %c0_i32_0 = arith.constant 0 : i32
    return %arg0, %c0_i32 : i32, i32
  }
  func.func @transform_5(%arg0: i32, %arg1: i32) -> (i32, i32) {
    %c0_i32 = arith.constant 0 : i32
    %c0_i32_0 = arith.constant 0 : i32
    %c0_i32_1 = arith.constant 0 : i32
    return %c0_i32, %c0_i32_0 : i32, i32
  }
}

</mosaic_0001>

<sc_bundles>
// kernel: kernel.4.cloned.1.call-start
scs
__scs_entry_jumppad:
0x0: {  	(pc) =	sbr.rel $0x88, $3  }
0x1: {  	(tag) =	ssettag $0x0;
	lr =	simm.s32 $0x1  }
0x2: {  	[smem:$0x3F9F] =	sst lr;
	_ =	strace $0xD0000000  }
0x3: {  	_ = 	snop  }
0x4: {  	_ = 	snop  }
0x5: {  	_ = 	snop  }
0x6: {  	_ = 	snop  }
0x7: {  	_ = 	snop  }
__scs_overlays_trampoline_lowered:
0x8: {  	[smem:$0x3FAE] =	sst s0  }
0x9: {  	[smem:$0x3FAF] =	sst s1  }
0xa: {  	[smem:$0x3FB0] =	sst s2  }
0xb: {  	[smem:$0x3FB1] =	sst s3  }
0xc: {  	[smem:$0x3FB2] =	sst s4  }
0xd: {  	[smem:$0x3FB3] =	sst s5  }
0xe: {  	[smem:$0x3FB4] =	sst s6  }
0xf: {  	[smem:$0x3FB5] =	sst s7  }
0x10: {  	[smem:$0x3FB6] =	sst s8  }
0x11: {  	[smem:$0x3FB7] =	sst s9;
	s0 =	simm.s32 @!p0 $0x0  }
0x12: {  	s1 =	sld [smem:$0x3F9D];
	s0 =	simm.s32 @p0 $0x1  }
0x13: {  	[smem:$0x3FB8] =	sst s0;
	s0 =	simm.s32 @!p1 $0x0  }
0x14: {  	s2 =	sld [smem:$0x3F9C];
	s0 =	simm.s32 @p1 $0x1  }
0x15: {  	[smem:$0x3FB9] =	sst s0;
	s0 =	simm.s32 @!p2 $0x0  }
0x16: {  	s3 =	sld [smem:$0x3FDB];
	s0 =	simm.s32 @p2 $0x1  }
0x17: {  	s4 =	simm.s32 $0x1BF5;
	[smem:$0x3FBB] =	sst s0  }
0x18: {  	s0 =	sld [smem:$0x3F9E];
	_ =	swait.ge [sflag:s4], $0x0  }
0x19: {  	s7 =	sld [smem:$0x3F9F]  }
0x1a: {  	s8 =	sadd.s32 $0xFFFFE003, lr  }
0x1b: {  	s9 =	sadd.s32 $0xFFFFFEF7, lr;
	s5 =	simm.s32 $0xFFFFFFFF;
	p2 =	slt.u32 s8, $0xFFFFF086  }
0x1c: {  	p1 =	slt.u32 s9, $0xF7A;
	s5 =	simm.s32 @!p2 $0x0  }
0x1d: {  	s5 =	simm.s32 @p1 $0x1;
	p0 =	seq.s32 s7, s2  }
0x1e: {  	s7 =	smul.u32 @!p0 $0xF7A, s2;
	p2 =	seq.s32 @!p0 s5, $0x0  }
0x1f: {  	s9 =	smul.u32 $0xF7A, s1;
	s8 =	simm.s32 @!p0 $0x1BF5;
	p2 =	por !p2, p0  }
0x20: {  	[sflag:s8] =	ssyncset.s32 @!p0 $0xFFFFF086;
	s6 =	sadd.s32 @!p0 s3, s7;
	s7 =	simm.s32 @!p0 $0x108  }
0x21: {  	s3 =	sadd.s32 s3, s9;
	s6 =	sadd.s32 @!p0 $0x88, s6;
	s7 =	simm.s32 @p2 $0x1082  }
0x22: {  	[simem:s7], [sflag:s8] =	dma.local @!p0 [hbm:s6], $0xF7A  }
0x23: {  	s9 =	sor.u32 $0xD0000000, s2;
	s6 =	simm.s32 $0x108;
	_ =	swait.ge @!p0 [sflag:s8], $0x0  }
0x24: {  	s3 =	sadd.s32 $0x88, s3;
	s6 =	simm.s32 @!p1 $0x1082;
	[sflag:s4] =	ssyncset.s32 $0xFFFFF086  }
0x25: {  	[simem:s6], [sflag:s4] =	dma.local [hbm:s3], $0xF7A  }
0x26: {  	[smem:$0x3F9F] =	sst s1;
	(tag) =	ssettag s2;
	_ =	strace s9  }
0x27: {  	s1 =	sld [smem:$0x3FAF]  }
0x28: {  	s2 =	sld [smem:$0x3FB0]  }
0x29: {  	s4 =	sld [smem:$0x3FB2]  }
0x2a: {  	p0 =	seq.s32 s5, $0x0;
	s5 =	sld [smem:$0x3FB3]  }
0x2b: {  	s6 =	sld [smem:$0x3FB4]  }
0x2c: {  	s7 =	sld [smem:$0x3FB5]  }
0x2d: {  	s3 =	simm.s32 $0x108;
	s8 =	sld [smem:$0x3FB6]  }
0x2e: {  	s3 =	simm.s32 @!p0 $0x1082;
	s9 =	sld [smem:$0x3FB7]  }
0x2f: {  	lr =	sadd.s32 s0, s3;
	s0 =	sld [smem:$0x3FAE]  }
0x30: {  	s3 =	sld [smem:$0x3FB1]  }
0x31: {  	[smem:$0x3FBA] =	sst s10  }
0x32: {  	s10 =	sld [smem:$0x3FB8];
	_ =	sdelay $0x3  }
0x33: {  	p0 =	seq.s32 s10, $0x1;
	s10 =	sld [smem:$0x3FBA];
	_ =	sdelay $0x3  }
0x34: {  	[smem:$0x3FBA] =	sst s10  }
0x35: {  	s10 =	sld [smem:$0x3FB9];
	_ =	sdelay $0x3  }
0x36: {  	p1 =	seq.s32 s10, $0x1;
	s10 =	sld [smem:$0x3FBA];
	_ =	sdelay $0x3  }
0x37: {  	[smem:$0x3FBA] =	sst s10  }
0x38: {  	s10 =	sld [smem:$0x3FBB]  }
0x39: {  	_ = 	snop;
	(pc) =	sbr.ind lr, $3  }
0x3a: {  	_ = 	snop  }
0x3b: {  	_ = 	snop  }
0x3c: {  	p2 =	seq.s32 s10, $0x1;
	s10 =	sld [smem:$0x3FBA]  }
0x3d: {  	_ =	shalt  }
0x3e: {  	_ =	shalt  }
0x3f: {  	_ =	shalt  }
0x40: {  	_ =	shalt  }
0x41: {  	_ =	shalt  }
0x42: {  	_ =	shalt  }
0x43: {  	_ =	shalt  }
0x44: {  	_ =	shalt  }
0x45: {  	_ =	shalt  }
0x46: {  	_ =	shalt  }
0x47: {  	_ =	shalt  }
0x48: {  	_ =	shalt  }
0x49: {  	_ =	shalt  }
0x4a: {  	_ =	shalt  }
0x4b: {  	_ =	shalt  }
0x4c: {  	_ =	shalt  }
0x4d: {  	_ =	shalt  }
0x4e: {  	_ =	shalt  }
0x4f: {  	_ =	shalt  }
0x50: {  	_ =	shalt  }
0x51: {  	_ =	shalt  }
0x52: {  	_ =	shalt  }
0x53: {  	_ =	shalt  }
0x54: {  	_ =	shalt  }
0x55: {  	_ =	shalt  }
0x56: {  	_ =	shalt  }
0x57: {  	_ =	shalt  }
0x58: {  	_ =	shalt  }
0x59: {  	_ =	shalt  }
0x5a: {  	_ =	shalt  }
0x5b: {  	_ =	shalt  }
0x5c: {  	_ =	shalt  }
0x5d: {  	_ =	shalt  }
0x5e: {  	_ =	shalt  }
0x5f: {  	_ =	shalt  }
0x60: {  	_ =	shalt  }
0x61: {  	_ =	shalt  }
0x62: {  	_ =	shalt  }
0x63: {  	_ =	shalt  }
0x64: {  	_ =	shalt  }
0x65: {  	_ =	shalt  }
0x66: {  	_ =	shalt  }
0x67: {  	_ =	shalt  }
0x68: {  	_ =	shalt  }
0x69: {  	_ =	shalt  }
0x6a: {  	_ =	shalt  }
0x6b: {  	_ =	shalt  }
0x6c: {  	_ =	shalt  }
0x6d: {  	_ =	shalt  }
0x6e: {  	_ =	shalt  }
0x6f: {  	_ =	shalt  }
0x70: {  	_ =	shalt  }
0x71: {  	_ =	shalt  }
0x72: {  	_ =	shalt  }
0x73: {  	_ =	shalt  }
0x74: {  	_ =	shalt  }
0x75: {  	_ =	shalt  }
0x76: {  	_ =	shalt  }
0x77: {  	_ =	shalt  }
0x78: {  	_ =	shalt  }
0x79: {  	_ =	shalt  }
0x7a: {  	_ =	shalt  }
0x7b: {  	_ =	shalt  }
0x7c: {  	_ =	shalt  }
0x7d: {  	_ =	shalt  }
0x7e: {  	_ =	shalt  }
0x7f: {  	_ =	shalt  }
0x80: {  	_ =	shalt  }
0x81: {  	_ =	shalt  }
0x82: {  	_ =	shalt  }
0x83: {  	_ =	shalt  }
0x84: {  	_ =	shalt  }
0x85: {  	_ =	shalt  }
0x86: {  	_ =	shalt  }
0x87: {  	_ =	shalt  }
.Lfunc_end0:
.L_simem_size_0:
called_computation_lowered:
.L_overlay_start_0:
0x88: {  	s2 =	sld [smem:$0x3FD9]  }
0x89: {  	s3 =	sld [smem:$0x3FFE];
	_ =	sdelay $0x1  }
0x8a: {  	s1 =	srdreg.scid  }
0x8b: {  	s0 =	sand.u32 $0x1, s1  }
0x8c: {  	s14 =	sshll.u32 s0, $0xA;
	s2 =	sadd.s32 s3, s2  }
0x8d: {  	s2 =	sadd.s32 s2, s14  }
0x8e: {  	[smem:$0x3FC6] =	sst s2  }
0x8f: {  	_ = 	snop  }
0x90: {  	s2 =	sld [smem:$0x3FD0];
	_ =	sdelay $0x2  }
0x91: {  	s15 =	simm.s32 $0xA;
	s4 =	simm.s32 $0x10  }
0x92: {  	[smem:s4], [sflag:s15] =	dma.local [hbm:s2], $0x1  }
0x93: {  	_ =	swait.eq [sflag:s15], $0x1  }
0x94: {  	[sflag:s15] =	ssyncset.done $0x0  }
0x95: {  	s16 =	sld [smem:$0x10];
	[sflag:s15] =	ssyncadd.s32 $0xFFFFFFFF  }
0x96: {  	s17 =	sld [smem:$0x11];
	(tm) =	ssettm $0x1  }
0x97: {  	s18 =	sld [smem:$0x3FFB];
	_ =	sdelay $0x3  }
0x98: {  	_ =	strace s18  }
0x99: {  	s4 =	sld [smem:$0x3FFC];
	_ =	sdelay $0x3  }
0x9a: {  	_ =	strace s4  }
0x9b: {  	s4 =	sld [smem:$0x3FFD];
	_ =	sdelay $0x3  }
0x9c: {  	_ =	strace s4  }
0x9d: {  	_ =	strace $0x8FFFFFFF  }
0x9e: {  	s19 =	sld [smem:$0x3FDB];
	_ =	sdelay $0x1  }
0x9f: {  	s5 =	simm.s32 $_scs_section_size  }
0xa0: {  	s6 =	simm.s32 $_size__tile_overlayer_lowered;
	s7 =	simm.s32 $_tile_overlayer_lowered  }
0xa1: {  	s22 =	simm.s32 $0x1BFF;
	s21 =	sshll.u32 s7, $0x1;
	s4 =	sadd.s32 s5, s19  }
0xa2: {  	s8 =	simm.s32 $0x0;
	s20 =	sshll.u32 s6, $0x1;
	s6 =	sadd.s32 s21, s4  }
0xa3: {  	[timem:s8], [sflag:s22] =	dma.local [hbm:s6], s20  }
0xa4: {  	_ =	swait.ge [sflag:s22], s20  }
0xa5: {  	s5 =	ssub.s32 $0x0, s20;
	[sflag:s22] =	ssyncset.done $0x0  }
0xa6: {  	[sflag:s22] =	ssyncadd.s32 s5;
	_ =	sdelay $0x1  }
0xa7: {  	s23 =	simm.s32 $0x1B8B  }
0xa8: {  	_ =	swait.ge [sflag:s23], $0x1  }
0xa9: {  	[sflag:s23] =	ssyncset.done $0x0  }
0xaa: {  	s25 =	simm.s32 $0x1B8E;
	s24 =	sld [smem:$0x3FFE];
	[sflag:s23] =	ssyncadd.s32 $0xFFFFFFFF  }
0xab: {  	s26 =	simm.s32 $execute0_lowered;
	[smem:$0x3FD2] =	sst s25  }
0xac: {  	s6 =	sshll.u32 s26, $0x1;
	_ =	strace $0x80000046;
	[dreg:$0x1] =	wrdreg $0xFFFFFFFF  }
0xad: {  	s28 =	simm.s32 $_size_execute0_lowered;
	s4 =	sadd.s32 s4, s6;
	[dreg:$0x0] =	wrdreg $0x0  }
0xae: {  	s6 =	sshll.u32 s28, $0x1;
	[dreg:$0x2] =	wrdreg s4  }
0xaf: {  	[dreg:$0x3] =	wrdreg s6  }
0xb0: {  	[dreg:$0x4] =	wrdreg $0xC0  }
0xb1: {  	_ =	task [dreg:s8], $0x5FFFF  }
0xb2: {  	[dreg:$0x1] =	wrdreg $0xFFFFFFFF  }
0xb3: {  	[dreg:$0x0] =	wrdreg $0x60  }
0xb4: {  	[dreg:$0x2] =	wrdreg s24  }
0xb5: {  	[dreg:$0x3] =	wrdreg s17  }
0xb6: {  	[dreg:$0x4] =	wrdreg s16  }
0xb7: {  	[dreg:$0x5] =	wrdreg $0x9  }
0xb8: {  	_ =	task.clear_ibuf [dreg:s8], $0x6FFFF;
	_ =	strace $0x90000046  }
0xb9: {  	s29 =	simm.s32 $0x9;
	_ =	strace $0x80000048  }
0xba: {  	_ =	swait.ge [sflag:s29], $0x1  }
0xbb: {  	[sflag:s29] =	ssyncadd.s32 $0xFFFFFFFF  }
0xbc: {  	_ =	strace $0x90000048  }
0xbd: {  	_ =	sfence  }
0xbe: {  	s30 =	sld [smem:$0x0];
	_ =	sdelay $0x2  }
0xbf: {  	s31 =	sshll.u32 s1, $0xD;
	s1 =	sshrl.u32 s1, $0x2  }
0xc0: {  	s3 =	sand.u32 $0x4000, s31;
	s1 =	sadd.s32 s1, s30  }
0xc1: {  	s0 =	sor.u32 s3, s0;
	s1 =	sshll.u32 s1, $0x11  }
0xc2: {  	s0 =	sor.u32 s1, s0  }
0xc3: {  	s0 =	sadd.s32 $0x8F2B, s0  }
0xc4: {  	[sflag:s0] =	ssyncadd.remote.s32 $0x1  }
0xc5: {  	_ =	sfence.sel $0xFFFF  }
0xc6: {  	[dreg:$0x0] =	wrdreg $0xFFFFFFFF;
	(pc) =	sbr.abs _section_cstart, $3  }
0xc7: {  	[dreg:$0x1] =	wrdreg $0xFFFFFFFF  }
0xc8: {  	_ =	task.clear_ibuf [dreg:s8], $0x2FFFF;
	_ =	strace $0x9FFFFFFF  }
0xc9: {  	(tm) =	ssettm $0x7FFFFFFF  }
tec
execute0_lowered:
.L_overlay_start_1:
0x0: {  	(tag) =	ssettag $0x1  }
0x1: {  	s1 =	rddreg [dreg:$0x0]  }
0x2: {  	s2 =	srdreg.scid;
	s4 =	rddreg [dreg:$0x1]  }
0x3: {  	s0 =	stileid.u32;
	s8 =	rddreg [dreg:$0x2];
	s6 =	sand.u32 $0x1, s2  }
0x4: {  	s3 =	simm.s32 $0x0;
	s5 =	sshll.u32 s0, $0xA;
	s7 =	sshll.u32 s6, $0x9  }
0x5: {  	[smem:$0x7FF] =	sst s3;
	s9 =	sor.u32 s7, s5  }
0x6: {  	s2 =	rddreg [dreg:$0x3];
	_ =	strace $0x80000047;
	s5 =	sshrl.u32 s9, $0x3  }
0x7: {  	s10 =	ssub.s32 $0x2, s6;
	s5 =	sadd.s32 s4, s5;
	s4 =	simm.s32 $0x2  }
0x8: {  	[tilespmem:s3], [sflag:$0x2] =	stream.linear.gather [hbm4b:s5+s3], $0x200, $0x38;
	[tilespmem:$0x8200] =	vst v63  }
0x9: {  	s11 =	sshrl.u32 s10, $0x1;
	_ =	swait.ge [sflag:s4], $0x200  }
0xa: {  	s6 =	simm.s32 $0x200;
	s10 =	ssub.s32 s10, s11;
	[sflag:s4] =	ssyncset.done $0x0  }
0xb: {  	s7 =	simm.s32 $0x1;
	s31 =	smax.u32 s10, $0x1;
	[sflag:s4] =	ssyncadd.s32 $0xFFFFFE00  }
0xc: {  	[tilespmem:s6], [sflag:$0x1] =	stream.indirect.gather [hbm4b:s1+s6], $0x40, s3, s6, $0xb8;
	[tilespmem:$0x8200] =	vst v63  }
0xd: {  	p0 =	sne.s32 s31, $0x1;
	_ =	swait.ge [sflag:s7], $0x8000  }
.Ltmp0:
0xe: {  	s9 =	sshll.u32 s9, $0x3;
	[sflag:s7] =	ssyncset.done $0x0;
	(pc) =	sbr.rel @!p0 .LBB2_2-.Ltmp0, $4  }
0xf: {  	s8 =	sadd.s32 s8, s9;
	[sflag:s7] =	ssyncadd.s32 $0xFFFF8000  }
0x10: {  	[hbm4b:s8+s3] =	stream.linear.scatter [tilespmem:s6], [sflag:$0x2], $0x8000, $0x38;
	[tilespmem:$0x8200] =	vst v63  }
0x11: {  	_ =	swait.ge [sflag:s4], $0x8000  }
0x12: {  	s9 =	sadd.s32 $0xFFFFFFFF, s31;
	[sflag:s4] =	ssyncset.done $0x0  }
.LBB2_1:
0x13: {  	p0 =	sne.s32 s9, $0x1;
	s9 =	sadd.s32 $0xFFFFFFFF, s9;
	[sflag:s4] =	ssyncadd.s32 $0xFFFF8000  }
0x14: {  	[tilespmem:s3], [sflag:$0x2] =	stream.linear.gather [hbm4b:s5+s3], $0x200, $0x38;
	[tilespmem:$0x8200] =	vst v63  }
0x15: {  	_ =	swait.ge [sflag:s4], $0x200  }
0x16: {  	[sflag:s4] =	ssyncset.done $0x0  }
0x17: {  	[sflag:s4] =	ssyncadd.s32 $0xFFFFFE00  }
0x18: {  	[tilespmem:s6], [sflag:$0x1] =	stream.indirect.gather [hbm4b:s1+s6], $0x40, s3, s6, $0xb8;
	[tilespmem:$0x8200] =	vst v63  }
0x19: {  	_ =	swait.ge [sflag:s7], $0x8000  }
.Ltmp1:
0x1a: {  	[sflag:s7] =	ssyncset.done $0x0;
	(pc) =	sbr.rel @p0 .LBB2_1-.Ltmp1, $4  }
0x1b: {  	[sflag:s7] =	ssyncadd.s32 $0xFFFF8000  }
0x1c: {  	[hbm4b:s8+s3] =	stream.linear.scatter [tilespmem:s6], [sflag:$0x2], $0x8000, $0x38;
	[tilespmem:$0x8200] =	vst v63  }
0x1d: {  	_ =	swait.ge [sflag:s4], $0x8000  }
0x1e: {  	[sflag:s4] =	ssyncset.done $0x0  }
.LBB2_2:
0x1f: {  	[sflag:s4] =	ssyncadd.s32 $0xFFFF8000  }
0x20: {  	_ =	sfence.sel $0x180000  }
0x21: {  	[bflag:$0x0] =	sbarrier.arrive $0xFFFF  }
0x22: {  	p0 =	sne.s32 s0, $0x0;
	_ =	strace $0x90000047  }
0x23: {  	s0 =	sadd.s32 @!p0 $0x100000, s2;
	[bflag:$0x2] =	sbarrier.arrive $0xFFFF  }
0x24: {  	[sflag:s0] =	ssyncadd.tile.s32 @!p0 $0x1;
	_ =	shalt  }
.Lfunc_end2:
_tile_overlayer_lowered:
.L_overlay_start_2:
0x25: {  	(tag) =	ssettag $0x2  }
0x26: {  	s0 =	rddreg [dreg:$0x0];
	s2 =	stileid.u32  }
0x27: {  	s1 =	rddreg [dreg:$0x1];
	p0 =	sne.s32 s2, $0x0  }
0x28: {  	s3 =	rddreg [dreg:$0x2];
	[bflag:$0x3] =	sbarrier.arrive $0xFFFF;
	s2 =	simm.s32 @!p0 $0x1C02  }
0x29: {  	[timem:s3], [sflag:s2] =	dma.local @!p0 [hbm:s0], s1  }
0x2a: {  	s0 =	simm.s32 @!p0 $0x2  }
0x2b: {  	_ =	swait.ge @!p0 [sflag:s0], s1  }
0x2c: {  	s1 =	ssub.s32 @!p0 $0x0, s1;
	[sflag:s0] =	ssyncset.done @!p0 $0x0  }
0x2d: {  	[sflag:s0] =	ssyncadd.s32 @!p0 s1  }
0x2e: {  	[bflag:$0x3] =	sbarrier.arrive $0xFFFF  }
0x2f: {  	_ =	shalt  }

</sc_bundles>
